<compile_context>
chip_gen: v7x
topology: tpu7x:2x2x1
jax: 0.10.2.dev20260603
libtpu: 0.0.44.dev20260713+nightly
codegen_flags: <defaults>
</compile_context>

<pallas_src>
import functools

import jax
import jax.numpy as jnp
from jax import lax
from jax.experimental import pallas as pl
from jax.experimental.pallas import tpu as pltpu
from jax.experimental.pallas import tpu_sc as plsc

NC = 2
NS = 16
NW = NC * NS
SUB = 128
TBLW = 128


def _tc_table(QT, lamT, embT, W):
    n_concept, n_ex = QT.shape
    emb_dim = W.shape[1]
    blk = 8192

    def body(qt_ref, l_ref, e_ref, w_ref, a_ref):
        qt = qt_ref[...]
        cnt = jnp.sum(qt, axis=0, keepdims=True)
        sq = qt * (l_ref[...] / cnt)
        ce = lax.dot_general(
            sq, w_ref[...], (((0,), (0,)), ((), ())),
            precision=lax.Precision.DEFAULT,
            preferred_element_type=jnp.float32,
        )
        row = lax.broadcasted_iota(jnp.int32, (emb_dim, emb_dim), 0)
        col = lax.broadcasted_iota(jnp.int32, (emb_dim, emb_dim), 1)
        ident = (row == col).astype(jnp.float32)
        et = lax.dot_general(
            e_ref[...], ident, (((0,), (0,)), ((), ())),
            precision=lax.Precision.DEFAULT,
            preferred_element_type=jnp.float32,
        )
        a_ref[:, :emb_dim] = et + ce

    return pl.pallas_call(
        body,
        grid=(pl.cdiv(n_ex, blk),),
        in_specs=[
            pl.BlockSpec((n_concept, blk), lambda i: (0, i)),
            pl.BlockSpec((1, blk), lambda i: (0, i)),
            pl.BlockSpec((emb_dim, blk), lambda i: (0, i)),
            pl.BlockSpec((n_concept, emb_dim), lambda i: (0, 0)),
        ],
        out_specs=pl.BlockSpec((blk, TBLW), lambda i: (i, 0)),
        out_shape=jax.ShapeDtypeStruct((n_ex, TBLW), jnp.float32),
    )(QT, lamT, embT, W)


def _sc_gather(idx2d, A, batch, emb_dim):
    per_w = batch // NW
    n_sub = per_w // SUB

    mesh = plsc.VectorSubcoreMesh(core_axis_name="c", subcore_axis_name="s")

    @functools.partial(
        pl.kernel,
        out_type=jax.ShapeDtypeStruct((batch, TBLW), jnp.float32),
        mesh=mesh,
        compiler_params=pltpu.CompilerParams(use_tc_tiling_on_sc=False),
        scratch_types=[
            pltpu.VMEM((n_sub, SUB), jnp.int32),
            pltpu.VMEM((per_w, TBLW), jnp.float32),
            pltpu.SemaphoreType.DMA,
        ],
    )
    def gather_kernel(idx_hbm, a_hbm, out_hbm, idx_v, row_v, sem):
        wid = lax.axis_index("s") * NC + lax.axis_index("c")
        base = wid * per_w
        pltpu.sync_copy(idx_hbm.at[pl.ds(wid * n_sub, n_sub)], idx_v)
        copies = []
        for j in range(n_sub):
            copies.append(pltpu.async_copy(
                a_hbm.at[idx_v.at[j]], row_v.at[pl.ds(j * SUB, SUB)], sem))
        for cp in copies:
            cp.wait()
        pltpu.sync_copy(row_v, out_hbm.at[pl.ds(base, per_w)])

    return gather_kernel(idx2d, A)


def _tc_emit(Ag, emb_dim):
    batch = Ag.shape[0]
    blk = 8192

    def body(a_ref, o_ref):
        o_ref[...] = jnp.transpose(a_ref[:, :emb_dim])

    return pl.pallas_call(
        body,
        grid=(batch // blk,),
        in_specs=[pl.BlockSpec((blk, TBLW), lambda i: (i, 0))],
        out_specs=pl.BlockSpec((emb_dim, blk), lambda i: (0, i)),
        out_shape=jax.ShapeDtypeStruct((emb_dim, batch), jnp.float32),
    )(Ag)


def kernel(exercise, exer_emb_w, exer_lam_w, concept_emb_w, Q_matrix):
    batch = exercise.shape[0]
    emb_dim = concept_emb_w.shape[1]
    A = _tc_table(Q_matrix.T, exer_lam_w.T, exer_emb_w.T, concept_emb_w)
    idx2d = exercise.astype(jnp.int32).reshape(batch // SUB, SUB)
    Ag = _sc_gather(idx2d, A, batch, emb_dim)
    return _tc_emit(Ag, emb_dim).T

# --- scband reference (transcript-rebuilt; emitter-appended) ---
"""Pipeline reference for scband-rasch-embedding-41961830482582 (READ-ONLY COPY).

The authoritative reference and input builder live on the scoring server;
editing this copy changes nothing except your own understanding.
"""

import jax, jax.numpy as jnp
import numpy as np

N_EXERCISE = 100000
N_CONCEPT = 100
EMBED_DIM = 64
BATCH = 16384


def setup_inputs(seed: int = 0) -> dict:
    key = jax.random.key(seed)
    k1, k2, k3, k4, k5 = jax.random.split(key, 5)
    exercise = jax.random.randint(k1, (BATCH,), 0, N_EXERCISE)
    exer_emb_w = jax.random.normal(k2, (N_EXERCISE, EMBED_DIM), dtype=jnp.float32) * 0.02
    exer_lam_w = jax.random.normal(k3, (N_EXERCISE, 1), dtype=jnp.float32) * 0.02
    concept_emb_w = jax.random.normal(k4, (N_CONCEPT, EMBED_DIM), dtype=jnp.float32) * 0.02
    Q_matrix = jax.random.uniform(k5, (N_EXERCISE, N_CONCEPT), dtype=jnp.float32)
    return {
        "exercise": exercise,
        "exer_emb_w": exer_emb_w,
        "exer_lam_w": exer_lam_w,
        "concept_emb_w": concept_emb_w,
        "Q_matrix": Q_matrix,
    }


def reference(exercise, exer_emb_w, exer_lam_w, concept_emb_w, Q_matrix):
    # exer_emb(exercise)
    exer_embedding = jnp.take(exer_emb_w, exercise, axis=0)            # [B, D]
    # exer_lam(exercise)
    exer_lambda = jnp.take(exer_lam_w, exercise, axis=0)               # [B, 1]
    # Q_matrix[exercise]
    related_concepts = jnp.take(Q_matrix, exercise, axis=0)            # [B, C]
    # matmul(related_concepts, concept_emb.weight)
    concept_embedding_sum = related_concepts @ concept_emb_w           # [B, D]
    concept_count = jnp.sum(related_concepts, axis=1, keepdims=True)   # [B, 1]
    concept_embedding = concept_embedding_sum / concept_count          # [B, D]
    rasch_embedding = exer_embedding + exer_lambda * concept_embedding # [B, D]
    return rasch_embedding

if __name__ == "__main__":
    import jax
    _d = setup_inputs()
    print(jax.jit(kernel)(*tuple(_d.values())))

</pallas_src>

<mosaic_0001>
#map = affine_map<(d0, d1) -> (0, 0)>
module attributes {stable_mosaic.version = 14 : i64} {
  func.func @gather_kernel(%arg0: i32, %arg1: i32, %arg2: memref<128x128xi32, #tpu.memory_space<hbm>>, %arg3: memref<100000x128xf32, #tpu.memory_space<hbm>>, %arg4: memref<16384x128xf32, #tpu.memory_space<hbm>>, %arg5: memref<4x128xi32, #tpu.memory_space<vmem>>, %arg6: memref<512x128xf32, #tpu.memory_space<vmem>>, %arg7: memref<!tpu.dma_semaphore, #tpu.memory_space<semaphore_mem>>) attributes {dimension_semantics = [#tpu.dimension_semantics<core_parallel>, #tpu.dimension_semantics<subcore_parallel>], iteration_bounds = array<i64: 2, 16>, scalar_prefetch = 0 : i64, scratch_operands = 3 : i64, tpu.core_type = #tpu.core_type<sc_vector_subcore>, window_params = [{transform_indices = #map}, {transform_indices = #map}, {transform_indices = #map}]} {
    %mul3A = arith.constant 2 : i32
    %mul3A_0 = arith.muli %arg1, %mul3A : i32
    %add3A = arith.addi %mul3A_0, %arg0 : i32
    %mul3A_1 = arith.constant 512 : i32
    %mul3A_2 = arith.muli %add3A, %mul3A_1 : i32
    %mul3A_3 = arith.constant 4 : i32
    %mul3A_4 = arith.muli %add3A, %mul3A_3 : i32
    "tpu.region"() ({
      %run_scoped3A = tpu.sem_alloc : memref<!tpu.dma_semaphore, #tpu.memory_space<semaphore_mem>>
      %dma_start3A_83 = arith.constant 0 : i32
      %dma_start3A_84 = tpu.memref_slice %arg2[%mul3A_4, %dma_start3A_83] : memref<128x128xi32, #tpu.memory_space<hbm>> -> memref<4x128xi32, #tpu.memory_space<hbm>>
      %dma_start3A_85 = arith.constant 0 : i32
      %dma_start3A_86 = tpu.memref_slice %arg2[%mul3A_4, %dma_start3A_85] : memref<128x128xi32, #tpu.memory_space<hbm>> -> memref<4x128xi32, #tpu.memory_space<hbm>>
      tpu.enqueue_dma source(%dma_start3A_86 : memref<4x128xi32, #tpu.memory_space<hbm>>) target(%arg5 : memref<4x128xi32, #tpu.memory_space<vmem>>) target_semaphore(%run_scoped3A : memref<!tpu.dma_semaphore, #tpu.memory_space<semaphore_mem>>)
      %dma_wait3A_87 = arith.constant 0 : i32
      %dma_wait3A_88 = tpu.memref_slice %arg2[%mul3A_4, %dma_wait3A_87] : memref<128x128xi32, #tpu.memory_space<hbm>> -> memref<4x128xi32, #tpu.memory_space<hbm>>
      %dma_wait3A_89 = arith.constant 0 : i32
      %dma_wait3A_90 = tpu.memref_slice %arg2[%mul3A_4, %dma_wait3A_89] : memref<128x128xi32, #tpu.memory_space<hbm>> -> memref<4x128xi32, #tpu.memory_space<hbm>>
      tpu.wait_dma2 semaphore(%run_scoped3A : memref<!tpu.dma_semaphore, #tpu.memory_space<semaphore_mem>>) src(%dma_wait3A_90 : memref<4x128xi32, #tpu.memory_space<hbm>>) dst(%arg5 : memref<4x128xi32, #tpu.memory_space<vmem>>)
      tpu.yield
    }) : () -> ()
    %dma_start3A = arith.constant 0 : i32
    %dma_start3A_5 = arith.constant 0 : i32
    %dma_start3A_6 = arith.constant 0 : i32
    %dma_start3A_7 = tpu.memref_slice %arg6[%dma_start3A_5, %dma_start3A_6] : memref<512x128xf32, #tpu.memory_space<vmem>> -> memref<128x128xf32, #tpu.memory_space<vmem>>
    %dma_start3A_8 = arith.constant 0 : i32
    %dma_start3A_9 = tpu.memref_slice %arg5[%dma_start3A, %dma_start3A_8] : memref<4x128xi32, #tpu.memory_space<vmem>> -> memref<1x128xi32, #tpu.memory_space<vmem>>
    %dma_start3A_10 = tpu.memref_squeeze %dma_start3A_9 : memref<1x128xi32, #tpu.memory_space<vmem>> -> memref<128xi32, #tpu.memory_space<vmem>>
    %dma_start3A_11 = arith.constant 0 : i32
    %dma_start3A_12 = arith.constant 0 : i32
    %dma_start3A_13 = tpu.memref_slice %arg3[%dma_start3A_11, %dma_start3A_12] : memref<100000x128xf32, #tpu.memory_space<hbm>> -> memref<100000x128xf32, #tpu.memory_space<hbm>>
    tpu.enqueue_indirect_dma source(%dma_start3A_13 : memref<100000x128xf32, #tpu.memory_space<hbm>>) target(%dma_start3A_7 : memref<128x128xf32, #tpu.memory_space<vmem>>) offsets(%dma_start3A_10 : memref<128xi32, #tpu.memory_space<vmem>>) semaphore(%arg7 : memref<!tpu.dma_semaphore, #tpu.memory_space<semaphore_mem>>)
    %dma_start3A_14 = arith.constant 1 : i32
    %dma_start3A_15 = arith.constant 128 : i32
    %dma_start3A_16 = arith.constant 0 : i32
    %dma_start3A_17 = tpu.memref_slice %arg6[%dma_start3A_15, %dma_start3A_16] : memref<512x128xf32, #tpu.memory_space<vmem>> -> memref<128x128xf32, #tpu.memory_space<vmem>>
    %dma_start3A_18 = arith.constant 0 : i32
    %dma_start3A_19 = tpu.memref_slice %arg5[%dma_start3A_14, %dma_start3A_18] : memref<4x128xi32, #tpu.memory_space<vmem>> -> memref<1x128xi32, #tpu.memory_space<vmem>>
    %dma_start3A_20 = tpu.memref_squeeze %dma_start3A_19 : memref<1x128xi32, #tpu.memory_space<vmem>> -> memref<128xi32, #tpu.memory_space<vmem>>
    %dma_start3A_21 = arith.constant 0 : i32
    %dma_start3A_22 = arith.constant 0 : i32
    %dma_start3A_23 = tpu.memref_slice %arg3[%dma_start3A_21, %dma_start3A_22] : memref<100000x128xf32, #tpu.memory_space<hbm>> -> memref<100000x128xf32, #tpu.memory_space<hbm>>
    tpu.enqueue_indirect_dma source(%dma_start3A_23 : memref<100000x128xf32, #tpu.memory_space<hbm>>) target(%dma_start3A_17 : memref<128x128xf32, #tpu.memory_space<vmem>>) offsets(%dma_start3A_20 : memref<128xi32, #tpu.memory_space<vmem>>) semaphore(%arg7 : memref<!tpu.dma_semaphore, #tpu.memory_space<semaphore_mem>>)
    %dma_start3A_24 = arith.constant 2 : i32
    %dma_start3A_25 = arith.constant 256 : i32
    %dma_start3A_26 = arith.constant 0 : i32
    %dma_start3A_27 = tpu.memref_slice %arg6[%dma_start3A_25, %dma_start3A_26] : memref<512x128xf32, #tpu.memory_space<vmem>> -> memref<128x128xf32, #tpu.memory_space<vmem>>
    %dma_start3A_28 = arith.constant 0 : i32
    %dma_start3A_29 = tpu.memref_slice %arg5[%dma_start3A_24, %dma_start3A_28] : memref<4x128xi32, #tpu.memory_space<vmem>> -> memref<1x128xi32, #tpu.memory_space<vmem>>
    %dma_start3A_30 = tpu.memref_squeeze %dma_start3A_29 : memref<1x128xi32, #tpu.memory_space<vmem>> -> memref<128xi32, #tpu.memory_space<vmem>>
    %dma_start3A_31 = arith.constant 0 : i32
    %dma_start3A_32 = arith.constant 0 : i32
    %dma_start3A_33 = tpu.memref_slice %arg3[%dma_start3A_31, %dma_start3A_32] : memref<100000x128xf32, #tpu.memory_space<hbm>> -> memref<100000x128xf32, #tpu.memory_space<hbm>>
    tpu.enqueue_indirect_dma source(%dma_start3A_33 : memref<100000x128xf32, #tpu.memory_space<hbm>>) target(%dma_start3A_27 : memref<128x128xf32, #tpu.memory_space<vmem>>) offsets(%dma_start3A_30 : memref<128xi32, #tpu.memory_space<vmem>>) semaphore(%arg7 : memref<!tpu.dma_semaphore, #tpu.memory_space<semaphore_mem>>)
    %dma_start3A_34 = arith.constant 3 : i32
    %dma_start3A_35 = arith.constant 384 : i32
    %dma_start3A_36 = arith.constant 0 : i32
    %dma_start3A_37 = tpu.memref_slice %arg6[%dma_start3A_35, %dma_start3A_36] : memref<512x128xf32, #tpu.memory_space<vmem>> -> memref<128x128xf32, #tpu.memory_space<vmem>>
    %dma_start3A_38 = arith.constant 0 : i32
    %dma_start3A_39 = tpu.memref_slice %arg5[%dma_start3A_34, %dma_start3A_38] : memref<4x128xi32, #tpu.memory_space<vmem>> -> memref<1x128xi32, #tpu.memory_space<vmem>>
    %dma_start3A_40 = tpu.memref_squeeze %dma_start3A_39 : memref<1x128xi32, #tpu.memory_space<vmem>> -> memref<128xi32, #tpu.memory_space<vmem>>
    %dma_start3A_41 = arith.constant 0 : i32
    %dma_start3A_42 = arith.constant 0 : i32
    %dma_start3A_43 = tpu.memref_slice %arg3[%dma_start3A_41, %dma_start3A_42] : memref<100000x128xf32, #tpu.memory_space<hbm>> -> memref<100000x128xf32, #tpu.memory_space<hbm>>
    tpu.enqueue_indirect_dma source(%dma_start3A_43 : memref<100000x128xf32, #tpu.memory_space<hbm>>) target(%dma_start3A_37 : memref<128x128xf32, #tpu.memory_space<vmem>>) offsets(%dma_start3A_40 : memref<128xi32, #tpu.memory_space<vmem>>) semaphore(%arg7 : memref<!tpu.dma_semaphore, #tpu.memory_space<semaphore_mem>>)
    %dma_wait3A = arith.constant 0 : i32
    %dma_wait3A_44 = arith.constant 0 : i32
    %dma_wait3A_45 = arith.constant 0 : i32
    %dma_wait3A_46 = tpu.memref_slice %arg6[%dma_wait3A_44, %dma_wait3A_45] : memref<512x128xf32, #tpu.memory_space<vmem>> -> memref<128x128xf32, #tpu.memory_space<vmem>>
    %dma_wait3A_47 = arith.constant 0 : i32
    %dma_wait3A_48 = tpu.memref_slice %arg5[%dma_wait3A, %dma_wait3A_47] : memref<4x128xi32, #tpu.memory_space<vmem>> -> memref<1x128xi32, #tpu.memory_space<vmem>>
    %dma_wait3A_49 = tpu.memref_squeeze %dma_wait3A_48 : memref<1x128xi32, #tpu.memory_space<vmem>> -> memref<128xi32, #tpu.memory_space<vmem>>
    %dma_wait3A_50 = arith.constant 0 : i32
    %dma_wait3A_51 = arith.constant 0 : i32
    %dma_wait3A_52 = tpu.memref_slice %arg3[%dma_wait3A_50, %dma_wait3A_51] : memref<100000x128xf32, #tpu.memory_space<hbm>> -> memref<100000x128xf32, #tpu.memory_space<hbm>>
    tpu.wait_indirect_dma semaphore(%arg7 : memref<!tpu.dma_semaphore, #tpu.memory_space<semaphore_mem>>) src(%dma_wait3A_52 : memref<100000x128xf32, #tpu.memory_space<hbm>>) dst(%dma_wait3A_46 : memref<128x128xf32, #tpu.memory_space<vmem>>)
    %dma_wait3A_53 = arith.constant 1 : i32
    %dma_wait3A_54 = arith.constant 128 : i32
    %dma_wait3A_55 = arith.constant 0 : i32
    %dma_wait3A_56 = tpu.memref_slice %arg6[%dma_wait3A_54, %dma_wait3A_55] : memref<512x128xf32, #tpu.memory_space<vmem>> -> memref<128x128xf32, #tpu.memory_space<vmem>>
    %dma_wait3A_57 = arith.constant 0 : i32
    %dma_wait3A_58 = tpu.memref_slice %arg5[%dma_wait3A_53, %dma_wait3A_57] : memref<4x128xi32, #tpu.memory_space<vmem>> -> memref<1x128xi32, #tpu.memory_space<vmem>>
    %dma_wait3A_59 = tpu.memref_squeeze %dma_wait3A_58 : memref<1x128xi32, #tpu.memory_space<vmem>> -> memref<128xi32, #tpu.memory_space<vmem>>
    %dma_wait3A_60 = arith.constant 0 : i32
    %dma_wait3A_61 = arith.constant 0 : i32
    %dma_wait3A_62 = tpu.memref_slice %arg3[%dma_wait3A_60, %dma_wait3A_61] : memref<100000x128xf32, #tpu.memory_space<hbm>> -> memref<100000x128xf32, #tpu.memory_space<hbm>>
    tpu.wait_indirect_dma semaphore(%arg7 : memref<!tpu.dma_semaphore, #tpu.memory_space<semaphore_mem>>) src(%dma_wait3A_62 : memref<100000x128xf32, #tpu.memory_space<hbm>>) dst(%dma_wait3A_56 : memref<128x128xf32, #tpu.memory_space<vmem>>)
    %dma_wait3A_63 = arith.constant 2 : i32
    %dma_wait3A_64 = arith.constant 256 : i32
    %dma_wait3A_65 = arith.constant 0 : i32
    %dma_wait3A_66 = tpu.memref_slice %arg6[%dma_wait3A_64, %dma_wait3A_65] : memref<512x128xf32, #tpu.memory_space<vmem>> -> memref<128x128xf32, #tpu.memory_space<vmem>>
    %dma_wait3A_67 = arith.constant 0 : i32
    %dma_wait3A_68 = tpu.memref_slice %arg5[%dma_wait3A_63, %dma_wait3A_67] : memref<4x128xi32, #tpu.memory_space<vmem>> -> memref<1x128xi32, #tpu.memory_space<vmem>>
    %dma_wait3A_69 = tpu.memref_squeeze %dma_wait3A_68 : memref<1x128xi32, #tpu.memory_space<vmem>> -> memref<128xi32, #tpu.memory_space<vmem>>
    %dma_wait3A_70 = arith.constant 0 : i32
    %dma_wait3A_71 = arith.constant 0 : i32
    %dma_wait3A_72 = tpu.memref_slice %arg3[%dma_wait3A_70, %dma_wait3A_71] : memref<100000x128xf32, #tpu.memory_space<hbm>> -> memref<100000x128xf32, #tpu.memory_space<hbm>>
    tpu.wait_indirect_dma semaphore(%arg7 : memref<!tpu.dma_semaphore, #tpu.memory_space<semaphore_mem>>) src(%dma_wait3A_72 : memref<100000x128xf32, #tpu.memory_space<hbm>>) dst(%dma_wait3A_66 : memref<128x128xf32, #tpu.memory_space<vmem>>)
    %dma_wait3A_73 = arith.constant 3 : i32
    %dma_wait3A_74 = arith.constant 384 : i32
    %dma_wait3A_75 = arith.constant 0 : i32
    %dma_wait3A_76 = tpu.memref_slice %arg6[%dma_wait3A_74, %dma_wait3A_75] : memref<512x128xf32, #tpu.memory_space<vmem>> -> memref<128x128xf32, #tpu.memory_space<vmem>>
    %dma_wait3A_77 = arith.constant 0 : i32
    %dma_wait3A_78 = tpu.memref_slice %arg5[%dma_wait3A_73, %dma_wait3A_77] : memref<4x128xi32, #tpu.memory_space<vmem>> -> memref<1x128xi32, #tpu.memory_space<vmem>>
    %dma_wait3A_79 = tpu.memref_squeeze %dma_wait3A_78 : memref<1x128xi32, #tpu.memory_space<vmem>> -> memref<128xi32, #tpu.memory_space<vmem>>
    %dma_wait3A_80 = arith.constant 0 : i32
    %dma_wait3A_81 = arith.constant 0 : i32
    %dma_wait3A_82 = tpu.memref_slice %arg3[%dma_wait3A_80, %dma_wait3A_81] : memref<100000x128xf32, #tpu.memory_space<hbm>> -> memref<100000x128xf32, #tpu.memory_space<hbm>>
    tpu.wait_indirect_dma semaphore(%arg7 : memref<!tpu.dma_semaphore, #tpu.memory_space<semaphore_mem>>) src(%dma_wait3A_82 : memref<100000x128xf32, #tpu.memory_space<hbm>>) dst(%dma_wait3A_76 : memref<128x128xf32, #tpu.memory_space<vmem>>)
    "tpu.region"() ({
      %run_scoped3A = tpu.sem_alloc : memref<!tpu.dma_semaphore, #tpu.memory_space<semaphore_mem>>
      %dma_start3A_83 = arith.constant 0 : i32
      %dma_start3A_84 = tpu.memref_slice %arg4[%mul3A_2, %dma_start3A_83] : memref<16384x128xf32, #tpu.memory_space<hbm>> -> memref<512x128xf32, #tpu.memory_space<hbm>>
      %dma_start3A_85 = arith.constant 0 : i32
      %dma_start3A_86 = tpu.memref_slice %arg4[%mul3A_2, %dma_start3A_85] : memref<16384x128xf32, #tpu.memory_space<hbm>> -> memref<512x128xf32, #tpu.memory_space<hbm>>
      tpu.enqueue_dma source(%arg6 : memref<512x128xf32, #tpu.memory_space<vmem>>) target(%dma_start3A_86 : memref<512x128xf32, #tpu.memory_space<hbm>>) target_semaphore(%run_scoped3A : memref<!tpu.dma_semaphore, #tpu.memory_space<semaphore_mem>>)
      %dma_wait3A_87 = arith.constant 0 : i32
      %dma_wait3A_88 = tpu.memref_slice %arg4[%mul3A_2, %dma_wait3A_87] : memref<16384x128xf32, #tpu.memory_space<hbm>> -> memref<512x128xf32, #tpu.memory_space<hbm>>
      %dma_wait3A_89 = arith.constant 0 : i32
      %dma_wait3A_90 = tpu.memref_slice %arg4[%mul3A_2, %dma_wait3A_89] : memref<16384x128xf32, #tpu.memory_space<hbm>> -> memref<512x128xf32, #tpu.memory_space<hbm>>
      tpu.wait_dma2 semaphore(%run_scoped3A : memref<!tpu.dma_semaphore, #tpu.memory_space<semaphore_mem>>) src(%arg6 : memref<512x128xf32, #tpu.memory_space<vmem>>) dst(%dma_wait3A_90 : memref<512x128xf32, #tpu.memory_space<hbm>>)
      tpu.yield
    }) : () -> ()
    return
  }
}

module attributes {stable_mosaic.version = 14 : i64} {
  func.func @body(%arg0: i32, %arg1: memref<8192x128xf32, #tpu.memory_space<vmem>>, %arg2: memref<64x8192xf32, #tpu.memory_space<vmem>>) attributes {dimension_semantics = [#tpu.dimension_semantics<arbitrary>], iteration_bounds = array<i64: 2>, scalar_prefetch = 0 : i64, scratch_operands = 0 : i64, tpu.core_type = #tpu.core_type<tc>, window_params = [{transform_indices = @transform_0, window_bounds = array<i64: 8192, 128>}, {transform_indices = @transform_1, window_bounds = array<i64: 64, 8192>}]} {
    %get3A = arith.constant 0 : index
    %get3A_0 = arith.constant 0 : index
    %get3A_1 = vector.load %arg1[%get3A, %get3A_0] : memref<8192x128xf32, #tpu.memory_space<vmem>>, vector<8192x64xf32>
    %transpose3A = tpu.transpose %get3A_1, [1, 0] : vector<8192x64xf32> -> vector<64x8192xf32>
    %swap3A = arith.constant 0 : index
    %swap3A_2 = arith.constant 0 : index
    %swap3A_3 = vector.load %arg2[%swap3A, %swap3A_2] : memref<64x8192xf32, #tpu.memory_space<vmem>>, vector<64x8192xf32>
    tpu.vector_store %arg2[%swap3A, %swap3A_2], %transpose3A {strides = array<i32>} : memref<64x8192xf32, #tpu.memory_space<vmem>>, vector<64x8192xf32>,
    return
  }
  func.func @transform_0(%arg0: i32) -> (i32, i32) {
    %c0_i32 = arith.constant 0 : i32
    %c0_i32_0 = arith.constant 0 : i32
    return %arg0, %c0_i32 : i32, i32
  }
  func.func @transform_1(%arg0: i32) -> (i32, i32) {
    %c0_i32 = arith.constant 0 : i32
    %c0_i32_0 = arith.constant 0 : i32
    return %c0_i32, %arg0 : i32, i32
  }
}

module attributes {stable_mosaic.version = 14 : i64} {
  func.func @body(%arg0: i32, %arg1: memref<100x8192xf32, #tpu.memory_space<vmem>>, %arg2: memref<1x8192xf32, #tpu.memory_space<vmem>>, %arg3: memref<64x8192xf32, #tpu.memory_space<vmem>>, %arg4: memref<100x64xf32, #tpu.memory_space<vmem>>, %arg5: memref<8192x128xf32, #tpu.memory_space<vmem>>) attributes {dimension_semantics = [#tpu.dimension_semantics<arbitrary>], iteration_bounds = array<i64: 13>, scalar_prefetch = 0 : i64, scratch_operands = 0 : i64, tpu.core_type = #tpu.core_type<tc>, window_params = [{transform_indices = @transform_0, window_bounds = array<i64: 100, 8192>}, {transform_indices = @transform_1, window_bounds = array<i64: 1, 8192>}, {transform_indices = @transform_2, window_bounds = array<i64: 64, 8192>}, {pipeline_mode = #tpu.pipeline_mode<synchronous>, transform_indices = @transform_3, window_bounds = array<i64: 100, 64>}, {transform_indices = @transform_4, window_bounds = array<i64: 8192, 128>}]} {
    %get3A = arith.constant 0 : index
    %get3A_0 = arith.constant 0 : index
    %get3A_1 = vector.load %arg1[%get3A, %get3A_0] : memref<100x8192xf32, #tpu.memory_space<vmem>>, vector<100x8192xf32>
    %reduce_sum3A = arith.constant dense<0.000000e+00> : vector<8192xf32>
    %reduce_sum3A_2 = vector.multi_reduction <add>, %get3A_1, %reduce_sum3A [0] : vector<100x8192xf32> to vector<8192xf32>
    %broadcast_in_dim3A = vector.shape_cast %reduce_sum3A_2 : vector<8192xf32> to vector<1x8192xf32>
    %get3A_3 = arith.constant 0 : index
    %get3A_4 = arith.constant 0 : index
    %get3A_5 = vector.load %arg2[%get3A_3, %get3A_4] : memref<1x8192xf32, #tpu.memory_space<vmem>>, vector<1x8192xf32>
    %div3A = arith.divf %get3A_5, %broadcast_in_dim3A : vector<1x8192xf32>
    %mul3A = vector.broadcast %div3A : vector<1x8192xf32> to vector<100x8192xf32>
    %mul3A_6 = arith.mulf %get3A_1, %mul3A : vector<100x8192xf32>
    %get3A_7 = arith.constant 0 : index
    %get3A_8 = arith.constant 0 : index
    %get3A_9 = vector.load %arg4[%get3A_7, %get3A_8] : memref<100x64xf32, #tpu.memory_space<vmem>>, vector<100x64xf32>
    %dot_general3A = arith.constant dense<0.000000e+00> : vector<8192x64xf32>
    %dot_general3A_10 = tpu.matmul %mul3A_6, %get3A_9, %dot_general3A {dimension_numbers = #tpu.dot_dimension_numbers<[0], [0], [1], [1], [0, 1, 1, 1], [], []>, transpose_lhs_hint = false} : vector<100x8192xf32>, vector<100x64xf32>, vector<8192x64xf32> -> vector<8192x64xf32>
    %iota3A = tpu.iota {dimensions = array<i32: 0>} : vector<64x64xi32>
    %iota3A_11 = tpu.iota {dimensions = array<i32: 1>} : vector<64x64xi32>
    %eq3A = arith.cmpi eq, %iota3A, %iota3A_11 : vector<64x64xi32>
    %convert_element_type3A = arith.extui %eq3A : vector<64x64xi1> to vector<64x64xi32>
    %convert_element_type3A_12 = arith.sitofp %convert_element_type3A : vector<64x64xi32> to vector<64x64xf32>
    %get3A_13 = arith.constant 0 : index
    %get3A_14 = arith.constant 0 : index
    %get3A_15 = vector.load %arg3[%get3A_13, %get3A_14] : memref<64x8192xf32, #tpu.memory_space<vmem>>, vector<64x8192xf32>
    %dot_general3A_16 = arith.constant dense<0.000000e+00> : vector<8192x64xf32>
    %dot_general3A_17 = tpu.matmul %get3A_15, %convert_element_type3A_12, %dot_general3A_16 {dimension_numbers = #tpu.dot_dimension_numbers<[0], [0], [1], [1], [0, 1, 1, 1], [], []>, transpose_lhs_hint = false} : vector<64x8192xf32>, vector<64x64xf32>, vector<8192x64xf32> -> vector<8192x64xf32>
    %add3A = arith.addf %dot_general3A_17, %dot_general3A_10 : vector<8192x64xf32>
    %swap3A = arith.constant 0 : index
    %swap3A_18 = arith.constant 0 : index
    %swap3A_19 = vector.load %arg5[%swap3A, %swap3A_18] : memref<8192x128xf32, #tpu.memory_space<vmem>>, vector<8192x64xf32>
    tpu.vector_store %arg5[%swap3A, %swap3A_18], %add3A {strides = array<i32>} : memref<8192x128xf32, #tpu.memory_space<vmem>>, vector<8192x64xf32>,
    return
  }
  func.func @transform_0(%arg0: i32) -> (i32, i32) {
    %c0_i32 = arith.constant 0 : i32
    %c0_i32_0 = arith.constant 0 : i32
    return %c0_i32, %arg0 : i32, i32
  }
  func.func @transform_1(%arg0: i32) -> (i32, i32) {
    %c0_i32 = arith.constant 0 : i32
    %c0_i32_0 = arith.constant 0 : i32
    return %c0_i32, %arg0 : i32, i32
  }
  func.func @transform_2(%arg0: i32) -> (i32, i32) {
    %c0_i32 = arith.constant 0 : i32
    %c0_i32_0 = arith.constant 0 : i32
    return %c0_i32, %arg0 : i32, i32
  }
  func.func @transform_3(%arg0: i32) -> (i32, i32) {
    %c0_i32 = arith.constant 0 : i32
    %c0_i32_0 = arith.constant 0 : i32
    %c0_i32_1 = arith.constant 0 : i32
    return %c0_i32, %c0_i32_0 : i32, i32
  }
  func.func @transform_4(%arg0: i32) -> (i32, i32) {
    %c0_i32 = arith.constant 0 : i32
    %c0_i32_0 = arith.constant 0 : i32
    return %arg0, %c0_i32 : i32, i32
  }
}

</mosaic_0001>

<sc_bundles>
// kernel: kernel.5.cloned.1.call-start
scs
__scs_entry_jumppad:
0x0: {  	(pc) =	sbr.rel $0x88, $3  }
0x1: {  	(tag) =	ssettag $0x0;
	lr =	simm.s32 $0x1  }
0x2: {  	[smem:$0x3F9C] =	sst lr;
	_ =	strace $0xD0000000  }
0x3: {  	_ = 	snop  }
0x4: {  	_ = 	snop  }
0x5: {  	_ = 	snop  }
0x6: {  	_ = 	snop  }
0x7: {  	_ = 	snop  }
__scs_overlays_trampoline_lowered:
0x8: {  	[smem:$0x3FAB] =	sst s0  }
0x9: {  	[smem:$0x3FAC] =	sst s1  }
0xa: {  	[smem:$0x3FAD] =	sst s2  }
0xb: {  	[smem:$0x3FAE] =	sst s3  }
0xc: {  	[smem:$0x3FAF] =	sst s4  }
0xd: {  	[smem:$0x3FB0] =	sst s5  }
0xe: {  	[smem:$0x3FB1] =	sst s6  }
0xf: {  	[smem:$0x3FB2] =	sst s7  }
0x10: {  	[smem:$0x3FB3] =	sst s8  }
0x11: {  	[smem:$0x3FB4] =	sst s9;
	s0 =	simm.s32 @!p0 $0x0  }
0x12: {  	s1 =	sld [smem:$0x3F9A];
	s0 =	simm.s32 @p0 $0x1  }
0x13: {  	[smem:$0x3FB5] =	sst s0;
	s0 =	simm.s32 @!p1 $0x0  }
0x14: {  	s2 =	sld [smem:$0x3F99];
	s0 =	simm.s32 @p1 $0x1  }
0x15: {  	[smem:$0x3FB6] =	sst s0;
	s0 =	simm.s32 @!p2 $0x0  }
0x16: {  	s3 =	sld [smem:$0x3FDB];
	s0 =	simm.s32 @p2 $0x1  }
0x17: {  	s4 =	simm.s32 $0x1BF5;
	[smem:$0x3FB8] =	sst s0  }
0x18: {  	s0 =	sld [smem:$0x3F9B];
	_ =	swait.ge [sflag:s4], $0x0  }
0x19: {  	s7 =	sld [smem:$0x3F9C]  }
0x1a: {  	s8 =	sadd.s32 $0xFFFFE003, lr  }
0x1b: {  	s9 =	sadd.s32 $0xFFFFFEF7, lr;
	s5 =	simm.s32 $0xFFFFFFFF;
	p2 =	slt.u32 s8, $0xFFFFF086  }
0x1c: {  	p1 =	slt.u32 s9, $0xF7A;
	s5 =	simm.s32 @!p2 $0x0  }
0x1d: {  	s5 =	simm.s32 @p1 $0x1;
	p0 =	seq.s32 s7, s2  }
0x1e: {  	s7 =	smul.u32 @!p0 $0xF7A, s2;
	p2 =	seq.s32 @!p0 s5, $0x0  }
0x1f: {  	s9 =	smul.u32 $0xF7A, s1;
	s8 =	simm.s32 @!p0 $0x1BF5;
	p2 =	por !p2, p0  }
0x20: {  	[sflag:s8] =	ssyncset.s32 @!p0 $0xFFFFF086;
	s6 =	sadd.s32 @!p0 s3, s7;
	s7 =	simm.s32 @!p0 $0x108  }
0x21: {  	s3 =	sadd.s32 s3, s9;
	s6 =	sadd.s32 @!p0 $0x88, s6;
	s7 =	simm.s32 @p2 $0x1082  }
0x22: {  	[simem:s7], [sflag:s8] =	dma.local @!p0 [hbm:s6], $0xF7A  }
0x23: {  	s9 =	sor.u32 $0xD0000000, s2;
	s6 =	simm.s32 $0x108;
	_ =	swait.ge @!p0 [sflag:s8], $0x0  }
0x24: {  	s3 =	sadd.s32 $0x88, s3;
	s6 =	simm.s32 @!p1 $0x1082;
	[sflag:s4] =	ssyncset.s32 $0xFFFFF086  }
0x25: {  	[simem:s6], [sflag:s4] =	dma.local [hbm:s3], $0xF7A  }
0x26: {  	[smem:$0x3F9C] =	sst s1;
	(tag) =	ssettag s2;
	_ =	strace s9  }
0x27: {  	s1 =	sld [smem:$0x3FAC]  }
0x28: {  	s2 =	sld [smem:$0x3FAD]  }
0x29: {  	s4 =	sld [smem:$0x3FAF]  }
0x2a: {  	p0 =	seq.s32 s5, $0x0;
	s5 =	sld [smem:$0x3FB0]  }
0x2b: {  	s6 =	sld [smem:$0x3FB1]  }
0x2c: {  	s7 =	sld [smem:$0x3FB2]  }
0x2d: {  	s3 =	simm.s32 $0x108;
	s8 =	sld [smem:$0x3FB3]  }
0x2e: {  	s3 =	simm.s32 @!p0 $0x1082;
	s9 =	sld [smem:$0x3FB4]  }
0x2f: {  	lr =	sadd.s32 s0, s3;
	s0 =	sld [smem:$0x3FAB]  }
0x30: {  	s3 =	sld [smem:$0x3FAE]  }
0x31: {  	[smem:$0x3FB7] =	sst s10  }
0x32: {  	s10 =	sld [smem:$0x3FB5];
	_ =	sdelay $0x3  }
0x33: {  	p0 =	seq.s32 s10, $0x1;
	s10 =	sld [smem:$0x3FB7];
	_ =	sdelay $0x3  }
0x34: {  	[smem:$0x3FB7] =	sst s10  }
0x35: {  	s10 =	sld [smem:$0x3FB6];
	_ =	sdelay $0x3  }
0x36: {  	p1 =	seq.s32 s10, $0x1;
	s10 =	sld [smem:$0x3FB7];
	_ =	sdelay $0x3  }
0x37: {  	[smem:$0x3FB7] =	sst s10  }
0x38: {  	s10 =	sld [smem:$0x3FB8]  }
0x39: {  	_ = 	snop;
	(pc) =	sbr.ind lr, $3  }
0x3a: {  	_ = 	snop  }
0x3b: {  	_ = 	snop  }
0x3c: {  	p2 =	seq.s32 s10, $0x1;
	s10 =	sld [smem:$0x3FB7]  }
0x3d: {  	_ =	shalt  }
0x3e: {  	_ =	shalt  }
0x3f: {  	_ =	shalt  }
0x40: {  	_ =	shalt  }
0x41: {  	_ =	shalt  }
0x42: {  	_ =	shalt  }
0x43: {  	_ =	shalt  }
0x44: {  	_ =	shalt  }
0x45: {  	_ =	shalt  }
0x46: {  	_ =	shalt  }
0x47: {  	_ =	shalt  }
0x48: {  	_ =	shalt  }
0x49: {  	_ =	shalt  }
0x4a: {  	_ =	shalt  }
0x4b: {  	_ =	shalt  }
0x4c: {  	_ =	shalt  }
0x4d: {  	_ =	shalt  }
0x4e: {  	_ =	shalt  }
0x4f: {  	_ =	shalt  }
0x50: {  	_ =	shalt  }
0x51: {  	_ =	shalt  }
0x52: {  	_ =	shalt  }
0x53: {  	_ =	shalt  }
0x54: {  	_ =	shalt  }
0x55: {  	_ =	shalt  }
0x56: {  	_ =	shalt  }
0x57: {  	_ =	shalt  }
0x58: {  	_ =	shalt  }
0x59: {  	_ =	shalt  }
0x5a: {  	_ =	shalt  }
0x5b: {  	_ =	shalt  }
0x5c: {  	_ =	shalt  }
0x5d: {  	_ =	shalt  }
0x5e: {  	_ =	shalt  }
0x5f: {  	_ =	shalt  }
0x60: {  	_ =	shalt  }
0x61: {  	_ =	shalt  }
0x62: {  	_ =	shalt  }
0x63: {  	_ =	shalt  }
0x64: {  	_ =	shalt  }
0x65: {  	_ =	shalt  }
0x66: {  	_ =	shalt  }
0x67: {  	_ =	shalt  }
0x68: {  	_ =	shalt  }
0x69: {  	_ =	shalt  }
0x6a: {  	_ =	shalt  }
0x6b: {  	_ =	shalt  }
0x6c: {  	_ =	shalt  }
0x6d: {  	_ =	shalt  }
0x6e: {  	_ =	shalt  }
0x6f: {  	_ =	shalt  }
0x70: {  	_ =	shalt  }
0x71: {  	_ =	shalt  }
0x72: {  	_ =	shalt  }
0x73: {  	_ =	shalt  }
0x74: {  	_ =	shalt  }
0x75: {  	_ =	shalt  }
0x76: {  	_ =	shalt  }
0x77: {  	_ =	shalt  }
0x78: {  	_ =	shalt  }
0x79: {  	_ =	shalt  }
0x7a: {  	_ =	shalt  }
0x7b: {  	_ =	shalt  }
0x7c: {  	_ =	shalt  }
0x7d: {  	_ =	shalt  }
0x7e: {  	_ =	shalt  }
0x7f: {  	_ =	shalt  }
0x80: {  	_ =	shalt  }
0x81: {  	_ =	shalt  }
0x82: {  	_ =	shalt  }
0x83: {  	_ =	shalt  }
0x84: {  	_ =	shalt  }
0x85: {  	_ =	shalt  }
0x86: {  	_ =	shalt  }
0x87: {  	_ =	shalt  }
.Lfunc_end0:
.L_simem_size_0:
called_computation_lowered:
.L_overlay_start_0:
0x88: {  	s2 =	sld [smem:$0x3FD9]  }
0x89: {  	s3 =	sld [smem:$0x3FFE];
	_ =	sdelay $0x1  }
0x8a: {  	s1 =	srdreg.scid  }
0x8b: {  	s0 =	sand.u32 $0x1, s1  }
0x8c: {  	s17 =	sshll.u32 s0, $0xA;
	s2 =	sadd.s32 s3, s2  }
0x8d: {  	s2 =	sadd.s32 s2, s17  }
0x8e: {  	[smem:$0x3FC3] =	sst s2  }
0x8f: {  	_ = 	snop  }
0x90: {  	s2 =	sld [smem:$0x3FC9];
	(tm) =	ssettm $0x1  }
0x91: {  	s18 =	sld [smem:$0x3FFB];
	_ =	sdelay $0x3  }
0x92: {  	_ =	strace s18  }
0x93: {  	s3 =	sld [smem:$0x3FFC];
	_ =	sdelay $0x3  }
0x94: {  	_ =	strace s3  }
0x95: {  	s3 =	sld [smem:$0x3FFD];
	_ =	sdelay $0x3  }
0x96: {  	_ =	strace s3  }
0x97: {  	_ =	strace $0x8FFFFFFF  }
0x98: {  	s19 =	sld [smem:$0x3FDB];
	_ =	sdelay $0x1  }
0x99: {  	s4 =	simm.s32 $_scs_section_size  }
0x9a: {  	s5 =	simm.s32 $_size__tile_overlayer_lowered;
	s6 =	simm.s32 $_tile_overlayer_lowered  }
0x9b: {  	s22 =	simm.s32 $0x1BFF;
	s21 =	sshll.u32 s6, $0x1;
	s3 =	sadd.s32 s4, s19  }
0x9c: {  	s7 =	simm.s32 $0x0;
	s20 =	sshll.u32 s5, $0x1;
	s5 =	sadd.s32 s21, s3  }
0x9d: {  	[timem:s7], [sflag:s22] =	dma.local [hbm:s5], s20  }
0x9e: {  	_ =	swait.ge [sflag:s22], s20  }
0x9f: {  	s4 =	ssub.s32 $0x0, s20;
	[sflag:s22] =	ssyncset.done $0x0  }
0xa0: {  	[sflag:s22] =	ssyncadd.s32 s4;
	_ =	sdelay $0x1  }
0xa1: {  	s23 =	simm.s32 $0x1B8B  }
0xa2: {  	_ =	swait.ge [sflag:s23], $0x1  }
0xa3: {  	[sflag:s23] =	ssyncset.done $0x0  }
0xa4: {  	s25 =	simm.s32 $0x1B8E;
	s24 =	sld [smem:$0x3FFE];
	[sflag:s23] =	ssyncadd.s32 $0xFFFFFFFF  }
0xa5: {  	s26 =	simm.s32 $execute0_lowered;
	[smem:$0x3FD2] =	sst s25  }
0xa6: {  	s5 =	sshll.u32 s26, $0x1;
	_ =	strace $0x80000046;
	[dreg:$0x1] =	wrdreg $0xFFFFFFFF  }
0xa7: {  	s28 =	simm.s32 $_size_execute0_lowered;
	s3 =	sadd.s32 s3, s5;
	[dreg:$0x0] =	wrdreg $0x0  }
0xa8: {  	s5 =	sshll.u32 s28, $0x1;
	[dreg:$0x2] =	wrdreg s3  }
0xa9: {  	[dreg:$0x3] =	wrdreg s5  }
0xaa: {  	[dreg:$0x4] =	wrdreg $0xC0  }
0xab: {  	_ =	task [dreg:s7], $0x5FFFF  }
0xac: {  	[dreg:$0x1] =	wrdreg $0xFFFFFFFF  }
0xad: {  	[dreg:$0x0] =	wrdreg $0x60  }
0xae: {  	[dreg:$0x2] =	wrdreg s2  }
0xaf: {  	[dreg:$0x3] =	wrdreg s24  }
0xb0: {  	[dreg:$0x4] =	wrdreg $0x9  }
0xb1: {  	_ =	task.clear_ibuf [dreg:s7], $0x5FFFF;
	_ =	strace $0x90000046  }
0xb2: {  	s29 =	simm.s32 $0x9;
	_ =	strace $0x80000048  }
0xb3: {  	_ =	swait.ge [sflag:s29], $0x1  }
0xb4: {  	[sflag:s29] =	ssyncadd.s32 $0xFFFFFFFF  }
0xb5: {  	_ =	strace $0x90000048  }
0xb6: {  	_ =	sfence  }
0xb7: {  	s30 =	sld [smem:$0x0];
	_ =	sdelay $0x2  }
0xb8: {  	s31 =	sshll.u32 s1, $0xD;
	s1 =	sshrl.u32 s1, $0x2  }
0xb9: {  	s3 =	sand.u32 $0x4000, s31;
	s1 =	sadd.s32 s1, s30  }
0xba: {  	s0 =	sor.u32 s3, s0;
	s1 =	sshll.u32 s1, $0x11  }
0xbb: {  	s0 =	sor.u32 s1, s0  }
0xbc: {  	s0 =	sadd.s32 $0x8F2B, s0  }
0xbd: {  	[sflag:s0] =	ssyncadd.remote.s32 $0x1  }
0xbe: {  	_ =	sfence.sel $0xFFFF  }
0xbf: {  	[dreg:$0x0] =	wrdreg $0xFFFFFFFF;
	(pc) =	sbr.abs _section_cstart, $3  }
0xc0: {  	[dreg:$0x1] =	wrdreg $0xFFFFFFFF  }
0xc1: {  	_ =	task.clear_ibuf [dreg:s7], $0x2FFFF;
	_ =	strace $0x9FFFFFFF  }
0xc2: {  	(tm) =	ssettm $0x7FFFFFFF  }
0xc3: {  	_ =	shalt  }
tec
execute0_lowered:
.L_overlay_start_1:
0x0: {  	(tag) =	ssettag $0x1  }
0x1: {  	s3 =	rddreg [dreg:$0x0]  }
0x2: {  	s1 =	srdreg.scid;
	s0 =	stileid.u32  }
0x3: {  	s14 =	rddreg [dreg:$0x1];
	s15 =	sand.u32 $0x1, s1;
	s4 =	sshll.u32 s0, $0x1  }
0x4: {  	s2 =	simm.s32 $0x0;
	s1 =	rddreg [dreg:$0x2];
	s16 =	sor.u32 s15, s4  }
0x5: {  	[smem:$0x7FF] =	sst s2;
	s4 =	sshll.u32 s16, $0x6  }
0x6: {  	_ =	strace $0x80000047;
	s4 =	sadd.s32 s3, s4;
	s3 =	simm.s32 $0x2  }
0x7: {  	[tilespmem:s2], [sflag:$0x2] =	stream.linear.gather [hbm4b:s4+s2], $0x200, $0x38;
	[tilespmem:$0x10200] =	vst v63  }
0x8: {  	_ =	swait.ge [sflag:s3], $0x200  }
0x9: {  	s6 =	simm.s32 $0x80;
	[sflag:s3] =	ssyncset.done $0x0  }
0xa: {  	s7 =	simm.s32 $0x200;
	s5 =	sadd.s32 $0x800, s14;
	[sflag:s3] =	ssyncadd.s32 $0xFFFFFE00  }
0xb: {  	[tilespmem:s7], [sflag:$0x1] =	stream.indirect.gather [hbm4b:s5+s6], $0x80, s2, s6, $0xb8;
	[tilespmem:$0x10200] =	vst v63  }
0xc: {  	s8 =	simm.s32 $0x4200  }
0xd: {  	[tilespmem:s8], [sflag:$0x1] =	stream.indirect.gather [hbm4b:s5+s6], $0x80, s6, s6, $0xb8;
	[tilespmem:$0x10200] =	vst v63  }
0xe: {  	s9 =	simm.s32 $0x100;
	s10 =	simm.s32 $0x8200  }
0xf: {  	[tilespmem:s10], [sflag:$0x1] =	stream.indirect.gather [hbm4b:s5+s6], $0x80, s9, s6, $0xb8;
	[tilespmem:$0x10200] =	vst v63  }
0x10: {  	s11 =	simm.s32 $0x180;
	s12 =	simm.s32 $0xC200;
	s13 =	simm.s32 $0x1  }
0x11: {  	[tilespmem:s12], [sflag:$0x1] =	stream.indirect.gather [hbm4b:s5+s6], $0x80, s11, s6, $0xb8;
	[tilespmem:$0x10200] =	vst v63  }
0x12: {  	_ =	swait.ge [sflag:s13], $0x4000  }
0x13: {  	[sflag:s13] =	ssyncset.done $0x0  }
0x14: {  	[sflag:s13] =	ssyncadd.s32 $0xFFFFC000  }
0x15: {  	_ =	swait.ge [sflag:s13], $0x4000  }
0x16: {  	[sflag:s13] =	ssyncset.done $0x0  }
0x17: {  	s15 =	ssub.s32 $0x2, s15;
	[sflag:s13] =	ssyncadd.s32 $0xFFFFC000  }
0x18: {  	s17 =	sshrl.u32 s15, $0x1;
	_ =	swait.ge [sflag:s13], $0x4000  }
0x19: {  	s15 =	ssub.s32 s15, s17;
	[sflag:s13] =	ssyncset.done $0x0  }
0x1a: {  	s15 =	smax.u32 s15, $0x1;
	[sflag:s13] =	ssyncadd.s32 $0xFFFFC000  }
0x1b: {  	s16 =	sshll.u32 s16, $0xD;
	p0 =	sne.s32 s15, $0x1;
	_ =	swait.ge [sflag:s13], $0x4000  }
.Ltmp0:
0x1c: {  	s14 =	sadd.s32 s16, s14;
	[sflag:s13] =	ssyncset.done $0x0;
	(pc) =	sbr.rel @!p0 .LBB2_2-.Ltmp0, $4  }
0x1d: {  	s14 =	sadd.s32 $0x187200, s14;
	[sflag:s13] =	ssyncadd.s32 $0xFFFFC000  }
0x1e: {  	[hbm4b:s14+s2] =	stream.linear.scatter [tilespmem:s7], [sflag:$0x2], $0x10000, $0x38;
	[tilespmem:$0x10200] =	vst v63  }
0x1f: {  	_ =	swait.ge [sflag:s3], $0x10000  }
0x20: {  	s15 =	sadd.s32 $0xFFFFFFFF, s15;
	[sflag:s3] =	ssyncset.done $0x0  }
.LBB2_1:
0x21: {  	p0 =	sne.s32 s15, $0x1;
	s15 =	sadd.s32 $0xFFFFFFFF, s15;
	[sflag:s3] =	ssyncadd.s32 $0xFFFF0000  }
0x22: {  	[tilespmem:s2], [sflag:$0x2] =	stream.linear.gather [hbm4b:s4+s2], $0x200, $0x38;
	[tilespmem:$0x10200] =	vst v63  }
0x23: {  	_ =	swait.ge [sflag:s3], $0x200  }
0x24: {  	[sflag:s3] =	ssyncset.done $0x0  }
0x25: {  	[sflag:s3] =	ssyncadd.s32 $0xFFFFFE00  }
0x26: {  	[tilespmem:s7], [sflag:$0x1] =	stream.indirect.gather [hbm4b:s5+s6], $0x80, s2, s6, $0xb8;
	[tilespmem:$0x10200] =	vst v63  }
0x27: {  	_ = 	snop  }
0x28: {  	[tilespmem:s8], [sflag:$0x1] =	stream.indirect.gather [hbm4b:s5+s6], $0x80, s6, s6, $0xb8;
	[tilespmem:$0x10200] =	vst v63  }
0x29: {  	_ = 	snop  }
0x2a: {  	[tilespmem:s10], [sflag:$0x1] =	stream.indirect.gather [hbm4b:s5+s6], $0x80, s9, s6, $0xb8;
	[tilespmem:$0x10200] =	vst v63  }
0x2b: {  	_ = 	snop  }
0x2c: {  	[tilespmem:s12], [sflag:$0x1] =	stream.indirect.gather [hbm4b:s5+s6], $0x80, s11, s6, $0xb8;
	[tilespmem:$0x10200] =	vst v63  }
0x2d: {  	_ =	swait.ge [sflag:s13], $0x4000  }
0x2e: {  	[sflag:s13] =	ssyncset.done $0x0  }
0x2f: {  	[sflag:s13] =	ssyncadd.s32 $0xFFFFC000  }
0x30: {  	_ =	swait.ge [sflag:s13], $0x4000  }
0x31: {  	[sflag:s13] =	ssyncset.done $0x0  }
0x32: {  	[sflag:s13] =	ssyncadd.s32 $0xFFFFC000  }
0x33: {  	_ =	swait.ge [sflag:s13], $0x4000  }
0x34: {  	[sflag:s13] =	ssyncset.done $0x0  }
0x35: {  	[sflag:s13] =	ssyncadd.s32 $0xFFFFC000  }
0x36: {  	_ =	swait.ge [sflag:s13], $0x4000  }
.Ltmp1:
0x37: {  	[sflag:s13] =	ssyncset.done $0x0;
	(pc) =	sbr.rel @p0 .LBB2_1-.Ltmp1, $4  }
0x38: {  	[sflag:s13] =	ssyncadd.s32 $0xFFFFC000  }
0x39: {  	[hbm4b:s14+s2] =	stream.linear.scatter [tilespmem:s7], [sflag:$0x2], $0x10000, $0x38;
	[tilespmem:$0x10200] =	vst v63  }
0x3a: {  	_ =	swait.ge [sflag:s3], $0x10000  }
0x3b: {  	[sflag:s3] =	ssyncset.done $0x0  }
.LBB2_2:
0x3c: {  	[sflag:s3] =	ssyncadd.s32 $0xFFFF0000  }
0x3d: {  	_ =	sfence.sel $0x180000  }
0x3e: {  	[bflag:$0x0] =	sbarrier.arrive $0xFFFF  }
0x3f: {  	p0 =	sne.s32 s0, $0x0;
	_ =	strace $0x90000047  }
0x40: {  	s0 =	sadd.s32 @!p0 $0x100000, s1;
	[bflag:$0x2] =	sbarrier.arrive $0xFFFF  }
0x41: {  	[sflag:s0] =	ssyncadd.tile.s32 @!p0 $0x1;
	_ =	shalt  }
.Lfunc_end2:
_tile_overlayer_lowered:
.L_overlay_start_2:
0x42: {  	(tag) =	ssettag $0x2  }
0x43: {  	s0 =	rddreg [dreg:$0x0];
	s2 =	stileid.u32  }
0x44: {  	s1 =	rddreg [dreg:$0x1];
	p0 =	sne.s32 s2, $0x0  }
0x45: {  	s3 =	rddreg [dreg:$0x2];
	[bflag:$0x3] =	sbarrier.arrive $0xFFFF;
	s2 =	simm.s32 @!p0 $0x1C02  }
0x46: {  	[timem:s3], [sflag:s2] =	dma.local @!p0 [hbm:s0], s1  }
0x47: {  	s0 =	simm.s32 @!p0 $0x2  }
0x48: {  	_ =	swait.ge @!p0 [sflag:s0], s1  }
0x49: {  	s1 =	ssub.s32 @!p0 $0x0, s1;
	[sflag:s0] =	ssyncset.done @!p0 $0x0  }
0x4a: {  	[sflag:s0] =	ssyncadd.s32 @!p0 s1  }
0x4b: {  	[bflag:$0x3] =	sbarrier.arrive $0xFFFF  }
0x4c: {  	_ =	shalt  }

</sc_bundles>
